<compile_context>
chip_gen: v7x
topology: tpu7x:2x2x1
jax: 0.10.2.dev20260603
libtpu: 0.0.44.dev20260713+nightly
codegen_flags: <defaults>
</compile_context>

<pallas_src>
import functools

import jax
import jax.numpy as jnp
from jax import lax
from jax.experimental import pallas as pl
from jax.experimental.pallas import tpu as pltpu
from jax.experimental.pallas import tpu_sc as plsc

_SIZE = 20
_DIM = 2 ** _SIZE
_BATCH = 32
_D = 4096
_NH = 256
_RB = 8
_NW = 32
_BLOCKS_PER_W = (_BATCH // _RB) * _NH // _NW

_mesh = plsc.VectorSubcoreMesh(core_axis_name="c", subcore_axis_name="s")


@functools.partial(
    pl.kernel,
    out_type=jax.ShapeDtypeStruct((_BATCH, _DIM), jnp.float32),
    mesh=_mesh,
    scratch_types=[
        pltpu.VMEM((_RB, _D), jnp.float32),
        pltpu.VMEM((_RB, _D), jnp.float32),
        pltpu.SemaphoreType.DMA,
        pltpu.SemaphoreType.DMA,
        pltpu.SemaphoreType.DMA,
        pltpu.SemaphoreType.DMA,
    ],
)
def _cnot_perm_sc(x_hbm, out_hbm, buf_a, buf_b, gsem_a, gsem_b, wsem_a, wsem_b):
    wid = lax.axis_index("s") * 2 + lax.axis_index("c")
    row0 = (wid // 8) * _RB
    h0 = (wid % 8) * _BLOCKS_PER_W

    def read(k, buf, sem):
        h = h0 + k
        src = h ^ ((h & 0xAA) >> 1)
        return pltpu.make_async_copy(
            x_hbm.at[pl.ds(row0, _RB), pl.ds(src * _D, _D)], buf, sem)

    def write(k, buf, sem):
        return pltpu.make_async_copy(
            buf, out_hbm.at[pl.ds(row0, _RB), pl.ds((h0 + k) * _D, _D)], sem)

    n_pairs = _BLOCKS_PER_W // 2
    read(0, buf_a, gsem_a).start()

    @pl.loop(0, n_pairs)
    def _body(g):
        k_a = g * 2
        k_b = k_a + 1
        read(k_a, buf_a, gsem_a).wait()

        @pl.when(g > 0)
        def _():
            write(k_a - 1, buf_b, wsem_b).wait()

        read(k_b, buf_b, gsem_b).start()
        write(k_a, buf_a, wsem_a).start()
        read(k_b, buf_b, gsem_b).wait()
        write(k_a, buf_a, wsem_a).wait()

        @pl.when(g < n_pairs - 1)
        def _():
            read(k_a + 2, buf_a, gsem_a).start()

        write(k_b, buf_b, wsem_b).start()

    write(_BLOCKS_PER_W - 1, buf_b, wsem_b).wait()


def kernel(x):
    return _cnot_perm_sc(x)

# --- scband reference (transcript-rebuilt; emitter-appended) ---
"""Pipeline reference for scband-gate-cnot-77713138253953 (READ-ONLY COPY).

The authoritative reference and input builder live on the scoring server;
editing this copy changes nothing except your own understanding.
"""

import jax, jax.numpy as jnp
import numpy as np

SIZE = 20
SITES = [(0, 1), (2, 3), (4, 5), (6, 7)]
DIM = 2 ** SIZE


def _x_ind(size, site):
    dim = 2 ** size
    ind = np.arange(dim, dtype=np.int64)
    bin_ind = np.repeat(np.tile(np.array([0, 1]), 2 ** site), 2 ** (size - 1 - site))
    negb = np.arange(dim) + (1 - 2 * bin_ind) * 2 ** (size - 1 - site)
    return ind[negb]


def _z_sign(size, site):
    return np.repeat(np.tile(np.array([1.0, -1.0], dtype=np.float32), 2 ** site), 2 ** (size - 1 - site))


_SIGNS = [jnp.asarray(_z_sign(SIZE, s)) for s, sp in SITES]
_INDS = [jnp.asarray(_x_ind(SIZE, sp)) for s, sp in SITES]


def setup_inputs(seed: int = 0) -> dict:
    key = jax.random.key(seed)
    x = jax.random.normal(key, (32, DIM), dtype=jnp.float32)
    return {"x": x}


def reference(x):
    # GateCNOT: for each (control s, target sp):
    #   zx = Z_s(x) ; x0 = (x + zx)/2 ; x1 = X_sp(x - zx)/2 ; x = x0 + x1
    for i in range(len(SITES)):
        sign = _SIGNS[i]
        ind = _INDS[i]
        zx = sign * x
        x0 = (x + zx) / 2
        x1 = jnp.take(x - zx, ind, axis=1) / 2
        x = x0 + x1
    return x

if __name__ == "__main__":
    import jax
    _d = setup_inputs()
    print(jax.jit(kernel)(*tuple(_d.values())))

</pallas_src>

<mosaic_0001>
#map = affine_map<(d0, d1) -> (0, 0)>
module attributes {stable_mosaic.version = 14 : i64} {
  func.func @_cnot_perm_sc(%arg0: i32, %arg1: i32, %arg2: memref<32x1048576xf32, #tpu.memory_space<hbm>>, %arg3: memref<32x1048576xf32, #tpu.memory_space<hbm>>, %arg4: memref<8x4096xf32, #tpu.memory_space<vmem>>, %arg5: memref<8x4096xf32, #tpu.memory_space<vmem>>, %arg6: memref<!tpu.dma_semaphore, #tpu.memory_space<semaphore_mem>>, %arg7: memref<!tpu.dma_semaphore, #tpu.memory_space<semaphore_mem>>, %arg8: memref<!tpu.dma_semaphore, #tpu.memory_space<semaphore_mem>>, %arg9: memref<!tpu.dma_semaphore, #tpu.memory_space<semaphore_mem>>) attributes {dimension_semantics = [#tpu.dimension_semantics<core_parallel>, #tpu.dimension_semantics<subcore_parallel>], iteration_bounds = array<i64: 2, 16>, scalar_prefetch = 0 : i64, scratch_operands = 6 : i64, tpu.core_type = #tpu.core_type<sc_vector_subcore>, window_params = [{transform_indices = #map}, {transform_indices = #map}]} {
    %mul3A = arith.constant 2 : i32
    %mul3A_0 = arith.muli %arg1, %mul3A : i32
    %add3A = arith.addi %mul3A_0, %arg0 : i32
    %jit3A = arith.constant 8 : i32
    %div3A = arith.divsi %add3A, %jit3A : i32
    %sign3A = arith.constant 0 : i32
    %sign3A_1 = arith.cmpi sgt, %add3A, %sign3A : i32
    %sign3A_2 = arith.extui %sign3A_1 : i1 to i32
    %sign3A_3 = arith.constant 0 : i32
    %sign3A_4 = arith.cmpi slt, %add3A, %sign3A_3 : i32
    %sign3A_5 = arith.extui %sign3A_4 : i1 to i32
    %sign3A_6 = arith.subi %sign3A_2, %sign3A_5 : i32
    %sign3A_7 = arith.constant 0 : i32
    %sign3A_8 = arith.cmpi sgt, %jit3A, %sign3A_7 : i32
    %sign3A_9 = arith.extui %sign3A_8 : i1 to i32
    %sign3A_10 = arith.constant 0 : i32
    %sign3A_11 = arith.cmpi slt, %jit3A, %sign3A_10 : i32
    %sign3A_12 = arith.extui %sign3A_11 : i1 to i32
    %sign3A_13 = arith.subi %sign3A_9, %sign3A_12 : i32
    %ne3A = arith.cmpi ne, %sign3A_6, %sign3A_13 : i32
    %rem3A = arith.remsi %add3A, %jit3A : i32
    %ne3A_14 = arith.constant 0 : i32
    %ne3A_15 = arith.cmpi ne, %rem3A, %ne3A_14 : i32
    %and3A = arith.andi %ne3A, %ne3A_15 : i1
    %sub3A = arith.constant 1 : i32
    %sub3A_16 = arith.subi %div3A, %sub3A : i32
    %select_n3A = arith.select %and3A, %sub3A_16, %div3A : i32
    %mul3A_17 = arith.constant 8 : i32
    %mul3A_18 = arith.muli %select_n3A, %mul3A_17 : i32
    %jit3A_19 = arith.constant 8 : i32
    %eq3A = arith.constant 0 : i32
    %eq3A_20 = arith.cmpi eq, %jit3A_19, %eq3A : i32
    %jit3A_21 = arith.constant 1 : i32
    %select_n3A_22 = arith.select %eq3A_20, %jit3A_21, %jit3A_19 : i32
    %rem3A_23 = arith.remsi %add3A, %select_n3A_22 : i32
    %ne3A_24 = arith.constant 0 : i32
    %ne3A_25 = arith.cmpi ne, %rem3A_23, %ne3A_24 : i32
    %lt3A = arith.constant 0 : i32
    %lt3A_26 = arith.cmpi slt, %rem3A_23, %lt3A : i32
    %lt3A_27 = arith.constant 0 : i32
    %lt3A_28 = arith.cmpi slt, %select_n3A_22, %lt3A_27 : i32
    %ne3A_29 = arith.xori %lt3A_26, %lt3A_28 : i1
    %and3A_30 = arith.andi %ne3A_29, %ne3A_25 : i1
    %add3A_31 = arith.addi %rem3A_23, %select_n3A_22 : i32
    %select_n3A_32 = arith.select %and3A_30, %add3A_31, %rem3A_23 : i32
    %mul3A_33 = arith.constant 32 : i32
    %mul3A_34 = arith.muli %select_n3A_32, %mul3A_33 : i32
    %add3A_35 = arith.constant 0 : i32
    %add3A_36 = arith.addi %mul3A_34, %add3A_35 : i32
    %and3A_37 = arith.constant 170 : i32
    %and3A_38 = arith.andi %add3A_36, %and3A_37 : i32
    %shift_right_arithmetic3A = arith.constant 1 : i32
    %shift_right_arithmetic3A_39 = arith.shrsi %and3A_38, %shift_right_arithmetic3A : i32
    %xor3A = arith.xori %add3A_36, %shift_right_arithmetic3A_39 : i32
    %mul3A_40 = arith.constant 4096 : i32
    %mul3A_41 = arith.muli %xor3A, %mul3A_40 : i32
    %dma_start3A = tpu.memref_slice %arg2[%mul3A_18, %mul3A_41] : memref<32x1048576xf32, #tpu.memory_space<hbm>> -> memref<8x4096xf32, #tpu.memory_space<hbm>>
    %dma_start3A_42 = tpu.memref_slice %arg2[%mul3A_18, %mul3A_41] : memref<32x1048576xf32, #tpu.memory_space<hbm>> -> memref<8x4096xf32, #tpu.memory_space<hbm>>
    tpu.enqueue_dma source(%dma_start3A_42 : memref<8x4096xf32, #tpu.memory_space<hbm>>) target(%arg4 : memref<8x4096xf32, #tpu.memory_space<vmem>>) target_semaphore(%arg6 : memref<!tpu.dma_semaphore, #tpu.memory_space<semaphore_mem>>)
    %scan3A = arith.constant 0 : i32
    %scan3A_43 = arith.constant 16 : i32
    %scan3A_44 = arith.addi %scan3A, %scan3A_43 : i32
    %scan3A_45 = arith.constant 1 : i32
    scf.for %scan3A_52 = %scan3A to %scan3A_44 step %scan3A_45  : i32 {
      %mul3A_53 = arith.constant 1 : i32
      %mul3A_54 = arith.muli %scan3A_52, %mul3A_53 : i32
      %add3A_55 = arith.constant 0 : i32
      %add3A_56 = arith.addi %add3A_55, %mul3A_54 : i32
      %mul3A_57 = arith.constant 2 : i32
      %mul3A_58 = arith.muli %add3A_56, %mul3A_57 : i32
      %add3A_59 = arith.constant 1 : i32
      %add3A_60 = arith.addi %mul3A_58, %add3A_59 : i32
      %add3A_61 = arith.addi %mul3A_34, %mul3A_58 : i32
      %and3A_62 = arith.constant 170 : i32
      %and3A_63 = arith.andi %add3A_61, %and3A_62 : i32
      %shift_right_arithmetic3A_64 = arith.constant 1 : i32
      %shift_right_arithmetic3A_65 = arith.shrsi %and3A_63, %shift_right_arithmetic3A_64 : i32
      %xor3A_66 = arith.xori %add3A_61, %shift_right_arithmetic3A_65 : i32
      %mul3A_67 = arith.constant 4096 : i32
      %mul3A_68 = arith.muli %xor3A_66, %mul3A_67 : i32
      %dma_wait3A_69 = tpu.memref_slice %arg2[%mul3A_18, %mul3A_68] : memref<32x1048576xf32, #tpu.memory_space<hbm>> -> memref<8x4096xf32, #tpu.memory_space<hbm>>
      %dma_wait3A_70 = tpu.memref_slice %arg2[%mul3A_18, %mul3A_68] : memref<32x1048576xf32, #tpu.memory_space<hbm>> -> memref<8x4096xf32, #tpu.memory_space<hbm>>
      tpu.wait_dma2 semaphore(%arg6 : memref<!tpu.dma_semaphore, #tpu.memory_space<semaphore_mem>>) src(%dma_wait3A_70 : memref<8x4096xf32, #tpu.memory_space<hbm>>) dst(%arg4 : memref<8x4096xf32, #tpu.memory_space<vmem>>)
      %gt3A = arith.constant 0 : i32
      %gt3A_71 = arith.cmpi sgt, %add3A_56, %gt3A : i32
      %convert_element_type3A = arith.extui %gt3A_71 : i1 to i32
      %cond3A = arith.constant 0 : i32
      %cond3A_72 = arith.cmpi ne, %convert_element_type3A, %cond3A : i32
      scf.if %cond3A_72 {
        %sub3A_113 = arith.constant 1 : i32
        %sub3A_114 = arith.subi %mul3A_58, %sub3A_113 : i32
        %add3A_115 = arith.addi %mul3A_34, %sub3A_114 : i32
        %mul3A_116 = arith.constant 4096 : i32
        %mul3A_117 = arith.muli %add3A_115, %mul3A_116 : i32
        %dma_wait3A_118 = tpu.memref_slice %arg3[%mul3A_18, %mul3A_117] : memref<32x1048576xf32, #tpu.memory_space<hbm>> -> memref<8x4096xf32, #tpu.memory_space<hbm>>
        %dma_wait3A_119 = tpu.memref_slice %arg3[%mul3A_18, %mul3A_117] : memref<32x1048576xf32, #tpu.memory_space<hbm>> -> memref<8x4096xf32, #tpu.memory_space<hbm>>
        tpu.wait_dma2 semaphore(%arg9 : memref<!tpu.dma_semaphore, #tpu.memory_space<semaphore_mem>>) src(%arg5 : memref<8x4096xf32, #tpu.memory_space<vmem>>) dst(%dma_wait3A_119 : memref<8x4096xf32, #tpu.memory_space<hbm>>)
      } else {
      }
      %add3A_73 = arith.addi %mul3A_34, %add3A_60 : i32
      %and3A_74 = arith.constant 170 : i32
      %and3A_75 = arith.andi %add3A_73, %and3A_74 : i32
      %shift_right_arithmetic3A_76 = arith.constant 1 : i32
      %shift_right_arithmetic3A_77 = arith.shrsi %and3A_75, %shift_right_arithmetic3A_76 : i32
      %xor3A_78 = arith.xori %add3A_73, %shift_right_arithmetic3A_77 : i32
      %mul3A_79 = arith.constant 4096 : i32
      %mul3A_80 = arith.muli %xor3A_78, %mul3A_79 : i32
      %dma_start3A_81 = tpu.memref_slice %arg2[%mul3A_18, %mul3A_80] : memref<32x1048576xf32, #tpu.memory_space<hbm>> -> memref<8x4096xf32, #tpu.memory_space<hbm>>
      %dma_start3A_82 = tpu.memref_slice %arg2[%mul3A_18, %mul3A_80] : memref<32x1048576xf32, #tpu.memory_space<hbm>> -> memref<8x4096xf32, #tpu.memory_space<hbm>>
      tpu.enqueue_dma source(%dma_start3A_82 : memref<8x4096xf32, #tpu.memory_space<hbm>>) target(%arg5 : memref<8x4096xf32, #tpu.memory_space<vmem>>) target_semaphore(%arg7 : memref<!tpu.dma_semaphore, #tpu.memory_space<semaphore_mem>>)
      %add3A_83 = arith.addi %mul3A_34, %mul3A_58 : i32
      %mul3A_84 = arith.constant 4096 : i32
      %mul3A_85 = arith.muli %add3A_83, %mul3A_84 : i32
      %dma_start3A_86 = tpu.memref_slice %arg3[%mul3A_18, %mul3A_85] : memref<32x1048576xf32, #tpu.memory_space<hbm>> -> memref<8x4096xf32, #tpu.memory_space<hbm>>
      %dma_start3A_87 = tpu.memref_slice %arg3[%mul3A_18, %mul3A_85] : memref<32x1048576xf32, #tpu.memory_space<hbm>> -> memref<8x4096xf32, #tpu.memory_space<hbm>>
      tpu.enqueue_dma source(%arg4 : memref<8x4096xf32, #tpu.memory_space<vmem>>) target(%dma_start3A_87 : memref<8x4096xf32, #tpu.memory_space<hbm>>) target_semaphore(%arg8 : memref<!tpu.dma_semaphore, #tpu.memory_space<semaphore_mem>>)
      %add3A_88 = arith.addi %mul3A_34, %add3A_60 : i32
      %and3A_89 = arith.constant 170 : i32
      %and3A_90 = arith.andi %add3A_88, %and3A_89 : i32
      %shift_right_arithmetic3A_91 = arith.constant 1 : i32
      %shift_right_arithmetic3A_92 = arith.shrsi %and3A_90, %shift_right_arithmetic3A_91 : i32
      %xor3A_93 = arith.xori %add3A_88, %shift_right_arithmetic3A_92 : i32
      %mul3A_94 = arith.constant 4096 : i32
      %mul3A_95 = arith.muli %xor3A_93, %mul3A_94 : i32
      %dma_wait3A_96 = tpu.memref_slice %arg2[%mul3A_18, %mul3A_95] : memref<32x1048576xf32, #tpu.memory_space<hbm>> -> memref<8x4096xf32, #tpu.memory_space<hbm>>
      %dma_wait3A_97 = tpu.memref_slice %arg2[%mul3A_18, %mul3A_95] : memref<32x1048576xf32, #tpu.memory_space<hbm>> -> memref<8x4096xf32, #tpu.memory_space<hbm>>
      tpu.wait_dma2 semaphore(%arg7 : memref<!tpu.dma_semaphore, #tpu.memory_space<semaphore_mem>>) src(%dma_wait3A_97 : memref<8x4096xf32, #tpu.memory_space<hbm>>) dst(%arg5 : memref<8x4096xf32, #tpu.memory_space<vmem>>)
      %add3A_98 = arith.addi %mul3A_34, %mul3A_58 : i32
      %mul3A_99 = arith.constant 4096 : i32
      %mul3A_100 = arith.muli %add3A_98, %mul3A_99 : i32
      %dma_wait3A_101 = tpu.memref_slice %arg3[%mul3A_18, %mul3A_100] : memref<32x1048576xf32, #tpu.memory_space<hbm>> -> memref<8x4096xf32, #tpu.memory_space<hbm>>
      %dma_wait3A_102 = tpu.memref_slice %arg3[%mul3A_18, %mul3A_100] : memref<32x1048576xf32, #tpu.memory_space<hbm>> -> memref<8x4096xf32, #tpu.memory_space<hbm>>
      tpu.wait_dma2 semaphore(%arg8 : memref<!tpu.dma_semaphore, #tpu.memory_space<semaphore_mem>>) src(%arg4 : memref<8x4096xf32, #tpu.memory_space<vmem>>) dst(%dma_wait3A_102 : memref<8x4096xf32, #tpu.memory_space<hbm>>)
      %lt3A_103 = arith.constant 15 : i32
      %lt3A_104 = arith.cmpi slt, %add3A_56, %lt3A_103 : i32
      %convert_element_type3A_105 = arith.extui %lt3A_104 : i1 to i32
      %cond3A_106 = arith.constant 0 : i32
      %cond3A_107 = arith.cmpi ne, %convert_element_type3A_105, %cond3A_106 : i32
      scf.if %cond3A_107 {
        %add3A_113 = arith.constant 2 : i32
        %add3A_114 = arith.addi %mul3A_58, %add3A_113 : i32
        %add3A_115 = arith.addi %mul3A_34, %add3A_114 : i32
        %and3A_116 = arith.constant 170 : i32
        %and3A_117 = arith.andi %add3A_115, %and3A_116 : i32
        %shift_right_arithmetic3A_118 = arith.constant 1 : i32
        %shift_right_arithmetic3A_119 = arith.shrsi %and3A_117, %shift_right_arithmetic3A_118 : i32
        %xor3A_120 = arith.xori %add3A_115, %shift_right_arithmetic3A_119 : i32
        %mul3A_121 = arith.constant 4096 : i32
        %mul3A_122 = arith.muli %xor3A_120, %mul3A_121 : i32
        %dma_start3A_123 = tpu.memref_slice %arg2[%mul3A_18, %mul3A_122] : memref<32x1048576xf32, #tpu.memory_space<hbm>> -> memref<8x4096xf32, #tpu.memory_space<hbm>>
        %dma_start3A_124 = tpu.memref_slice %arg2[%mul3A_18, %mul3A_122] : memref<32x1048576xf32, #tpu.memory_space<hbm>> -> memref<8x4096xf32, #tpu.memory_space<hbm>>
        tpu.enqueue_dma source(%dma_start3A_124 : memref<8x4096xf32, #tpu.memory_space<hbm>>) target(%arg4 : memref<8x4096xf32, #tpu.memory_space<vmem>>) target_semaphore(%arg6 : memref<!tpu.dma_semaphore, #tpu.memory_space<semaphore_mem>>)
      } else {
      }
      %add3A_108 = arith.addi %mul3A_34, %add3A_60 : i32
      %mul3A_109 = arith.constant 4096 : i32
      %mul3A_110 = arith.muli %add3A_108, %mul3A_109 : i32
      %dma_start3A_111 = tpu.memref_slice %arg3[%mul3A_18, %mul3A_110] : memref<32x1048576xf32, #tpu.memory_space<hbm>> -> memref<8x4096xf32, #tpu.memory_space<hbm>>
      %dma_start3A_112 = tpu.memref_slice %arg3[%mul3A_18, %mul3A_110] : memref<32x1048576xf32, #tpu.memory_space<hbm>> -> memref<8x4096xf32, #tpu.memory_space<hbm>>
      tpu.enqueue_dma source(%arg5 : memref<8x4096xf32, #tpu.memory_space<vmem>>) target(%dma_start3A_112 : memref<8x4096xf32, #tpu.memory_space<hbm>>) target_semaphore(%arg9 : memref<!tpu.dma_semaphore, #tpu.memory_space<semaphore_mem>>)
    }
    %scan3A_46 = arith.constant 16 : i32
    %add3A_47 = arith.constant 31 : i32
    %add3A_48 = arith.addi %mul3A_34, %add3A_47 : i32
    %mul3A_49 = arith.constant 4096 : i32
    %mul3A_50 = arith.muli %add3A_48, %mul3A_49 : i32
    %dma_wait3A = tpu.memref_slice %arg3[%mul3A_18, %mul3A_50] : memref<32x1048576xf32, #tpu.memory_space<hbm>> -> memref<8x4096xf32, #tpu.memory_space<hbm>>
    %dma_wait3A_51 = tpu.memref_slice %arg3[%mul3A_18, %mul3A_50] : memref<32x1048576xf32, #tpu.memory_space<hbm>> -> memref<8x4096xf32, #tpu.memory_space<hbm>>
    tpu.wait_dma2 semaphore(%arg9 : memref<!tpu.dma_semaphore, #tpu.memory_space<semaphore_mem>>) src(%arg5 : memref<8x4096xf32, #tpu.memory_space<vmem>>) dst(%dma_wait3A_51 : memref<8x4096xf32, #tpu.memory_space<hbm>>)
    return
  }
}

</mosaic_0001>

<sc_bundles>
// kernel: kernel.3.cloned.1.call-start
scs
__scs_entry_jumppad:
0x0: {  	(pc) =	sbr.rel $0x88, $3  }
0x1: {  	(tag) =	ssettag $0x0;
	lr =	simm.s32 $0x1  }
0x2: {  	[smem:$0x3FA0] =	sst lr;
	_ =	strace $0xD0000000  }
0x3: {  	_ = 	snop  }
0x4: {  	_ = 	snop  }
0x5: {  	_ = 	snop  }
0x6: {  	_ = 	snop  }
0x7: {  	_ = 	snop  }
__scs_overlays_trampoline_lowered:
0x8: {  	[smem:$0x3FAF] =	sst s0  }
0x9: {  	[smem:$0x3FB0] =	sst s1  }
0xa: {  	[smem:$0x3FB1] =	sst s2  }
0xb: {  	[smem:$0x3FB2] =	sst s3  }
0xc: {  	[smem:$0x3FB3] =	sst s4  }
0xd: {  	[smem:$0x3FB4] =	sst s5  }
0xe: {  	[smem:$0x3FB5] =	sst s6  }
0xf: {  	[smem:$0x3FB6] =	sst s7  }
0x10: {  	[smem:$0x3FB7] =	sst s8  }
0x11: {  	[smem:$0x3FB8] =	sst s9;
	s0 =	simm.s32 @!p0 $0x0  }
0x12: {  	s1 =	sld [smem:$0x3F9E];
	s0 =	simm.s32 @p0 $0x1  }
0x13: {  	[smem:$0x3FB9] =	sst s0;
	s0 =	simm.s32 @!p1 $0x0  }
0x14: {  	s2 =	sld [smem:$0x3F9D];
	s0 =	simm.s32 @p1 $0x1  }
0x15: {  	[smem:$0x3FBA] =	sst s0;
	s0 =	simm.s32 @!p2 $0x0  }
0x16: {  	s3 =	sld [smem:$0x3FDB];
	s0 =	simm.s32 @p2 $0x1  }
0x17: {  	s4 =	simm.s32 $0x1BF5;
	[smem:$0x3FBC] =	sst s0  }
0x18: {  	s0 =	sld [smem:$0x3F9F];
	_ =	swait.ge [sflag:s4], $0x0  }
0x19: {  	s7 =	sld [smem:$0x3FA0]  }
0x1a: {  	s8 =	sadd.s32 $0xFFFFE003, lr  }
0x1b: {  	s9 =	sadd.s32 $0xFFFFFEF7, lr;
	s5 =	simm.s32 $0xFFFFFFFF;
	p2 =	slt.u32 s8, $0xFFFFF086  }
0x1c: {  	p1 =	slt.u32 s9, $0xF7A;
	s5 =	simm.s32 @!p2 $0x0  }
0x1d: {  	s5 =	simm.s32 @p1 $0x1;
	p0 =	seq.s32 s7, s2  }
0x1e: {  	s7 =	smul.u32 @!p0 $0xF7A, s2;
	p2 =	seq.s32 @!p0 s5, $0x0  }
0x1f: {  	s9 =	smul.u32 $0xF7A, s1;
	s8 =	simm.s32 @!p0 $0x1BF5;
	p2 =	por !p2, p0  }
0x20: {  	[sflag:s8] =	ssyncset.s32 @!p0 $0xFFFFF086;
	s6 =	sadd.s32 @!p0 s3, s7;
	s7 =	simm.s32 @!p0 $0x108  }
0x21: {  	s3 =	sadd.s32 s3, s9;
	s6 =	sadd.s32 @!p0 $0x88, s6;
	s7 =	simm.s32 @p2 $0x1082  }
0x22: {  	[simem:s7], [sflag:s8] =	dma.local @!p0 [hbm:s6], $0xF7A  }
0x23: {  	s9 =	sor.u32 $0xD0000000, s2;
	s6 =	simm.s32 $0x108;
	_ =	swait.ge @!p0 [sflag:s8], $0x0  }
0x24: {  	s3 =	sadd.s32 $0x88, s3;
	s6 =	simm.s32 @!p1 $0x1082;
	[sflag:s4] =	ssyncset.s32 $0xFFFFF086  }
0x25: {  	[simem:s6], [sflag:s4] =	dma.local [hbm:s3], $0xF7A  }
0x26: {  	[smem:$0x3FA0] =	sst s1;
	(tag) =	ssettag s2;
	_ =	strace s9  }
0x27: {  	s1 =	sld [smem:$0x3FB0]  }
0x28: {  	s2 =	sld [smem:$0x3FB1]  }
0x29: {  	s4 =	sld [smem:$0x3FB3]  }
0x2a: {  	p0 =	seq.s32 s5, $0x0;
	s5 =	sld [smem:$0x3FB4]  }
0x2b: {  	s6 =	sld [smem:$0x3FB5]  }
0x2c: {  	s7 =	sld [smem:$0x3FB6]  }
0x2d: {  	s3 =	simm.s32 $0x108;
	s8 =	sld [smem:$0x3FB7]  }
0x2e: {  	s3 =	simm.s32 @!p0 $0x1082;
	s9 =	sld [smem:$0x3FB8]  }
0x2f: {  	lr =	sadd.s32 s0, s3;
	s0 =	sld [smem:$0x3FAF]  }
0x30: {  	s3 =	sld [smem:$0x3FB2]  }
0x31: {  	[smem:$0x3FBB] =	sst s10  }
0x32: {  	s10 =	sld [smem:$0x3FB9];
	_ =	sdelay $0x3  }
0x33: {  	p0 =	seq.s32 s10, $0x1;
	s10 =	sld [smem:$0x3FBB];
	_ =	sdelay $0x3  }
0x34: {  	[smem:$0x3FBB] =	sst s10  }
0x35: {  	s10 =	sld [smem:$0x3FBA];
	_ =	sdelay $0x3  }
0x36: {  	p1 =	seq.s32 s10, $0x1;
	s10 =	sld [smem:$0x3FBB];
	_ =	sdelay $0x3  }
0x37: {  	[smem:$0x3FBB] =	sst s10  }
0x38: {  	s10 =	sld [smem:$0x3FBC]  }
0x39: {  	_ = 	snop;
	(pc) =	sbr.ind lr, $3  }
0x3a: {  	_ = 	snop  }
0x3b: {  	_ = 	snop  }
0x3c: {  	p2 =	seq.s32 s10, $0x1;
	s10 =	sld [smem:$0x3FBB]  }
0x3d: {  	_ =	shalt  }
0x3e: {  	_ =	shalt  }
0x3f: {  	_ =	shalt  }
0x40: {  	_ =	shalt  }
0x41: {  	_ =	shalt  }
0x42: {  	_ =	shalt  }
0x43: {  	_ =	shalt  }
0x44: {  	_ =	shalt  }
0x45: {  	_ =	shalt  }
0x46: {  	_ =	shalt  }
0x47: {  	_ =	shalt  }
0x48: {  	_ =	shalt  }
0x49: {  	_ =	shalt  }
0x4a: {  	_ =	shalt  }
0x4b: {  	_ =	shalt  }
0x4c: {  	_ =	shalt  }
0x4d: {  	_ =	shalt  }
0x4e: {  	_ =	shalt  }
0x4f: {  	_ =	shalt  }
0x50: {  	_ =	shalt  }
0x51: {  	_ =	shalt  }
0x52: {  	_ =	shalt  }
0x53: {  	_ =	shalt  }
0x54: {  	_ =	shalt  }
0x55: {  	_ =	shalt  }
0x56: {  	_ =	shalt  }
0x57: {  	_ =	shalt  }
0x58: {  	_ =	shalt  }
0x59: {  	_ =	shalt  }
0x5a: {  	_ =	shalt  }
0x5b: {  	_ =	shalt  }
0x5c: {  	_ =	shalt  }
0x5d: {  	_ =	shalt  }
0x5e: {  	_ =	shalt  }
0x5f: {  	_ =	shalt  }
0x60: {  	_ =	shalt  }
0x61: {  	_ =	shalt  }
0x62: {  	_ =	shalt  }
0x63: {  	_ =	shalt  }
0x64: {  	_ =	shalt  }
0x65: {  	_ =	shalt  }
0x66: {  	_ =	shalt  }
0x67: {  	_ =	shalt  }
0x68: {  	_ =	shalt  }
0x69: {  	_ =	shalt  }
0x6a: {  	_ =	shalt  }
0x6b: {  	_ =	shalt  }
0x6c: {  	_ =	shalt  }
0x6d: {  	_ =	shalt  }
0x6e: {  	_ =	shalt  }
0x6f: {  	_ =	shalt  }
0x70: {  	_ =	shalt  }
0x71: {  	_ =	shalt  }
0x72: {  	_ =	shalt  }
0x73: {  	_ =	shalt  }
0x74: {  	_ =	shalt  }
0x75: {  	_ =	shalt  }
0x76: {  	_ =	shalt  }
0x77: {  	_ =	shalt  }
0x78: {  	_ =	shalt  }
0x79: {  	_ =	shalt  }
0x7a: {  	_ =	shalt  }
0x7b: {  	_ =	shalt  }
0x7c: {  	_ =	shalt  }
0x7d: {  	_ =	shalt  }
0x7e: {  	_ =	shalt  }
0x7f: {  	_ =	shalt  }
0x80: {  	_ =	shalt  }
0x81: {  	_ =	shalt  }
0x82: {  	_ =	shalt  }
0x83: {  	_ =	shalt  }
0x84: {  	_ =	shalt  }
0x85: {  	_ =	shalt  }
0x86: {  	_ =	shalt  }
0x87: {  	_ =	shalt  }
.Lfunc_end0:
.L_simem_size_0:
called_computation_lowered:
.L_overlay_start_0:
0x88: {  	s2 =	sld [smem:$0x3FD9]  }
0x89: {  	s3 =	sld [smem:$0x3FFE];
	_ =	sdelay $0x1  }
0x8a: {  	s1 =	srdreg.scid  }
0x8b: {  	s0 =	sand.u32 $0x1, s1  }
0x8c: {  	s18 =	sshll.u32 s0, $0xA;
	s2 =	sadd.s32 s3, s2  }
0x8d: {  	s2 =	sadd.s32 s2, s18  }
0x8e: {  	[smem:$0x3FC7] =	sst s2  }
0x8f: {  	_ = 	snop  }
0x90: {  	s2 =	sld [smem:$0x3FC9]  }
0x91: {  	s19 =	sld [smem:$0x3FD0];
	(tm) =	ssettm $0x1  }
0x92: {  	s4 =	sld [smem:$0x3FFB];
	_ =	sdelay $0x3  }
0x93: {  	_ =	strace s4  }
0x94: {  	s4 =	sld [smem:$0x3FFC];
	_ =	sdelay $0x3  }
0x95: {  	_ =	strace s4  }
0x96: {  	s4 =	sld [smem:$0x3FFD];
	_ =	sdelay $0x3  }
0x97: {  	_ =	strace s4  }
0x98: {  	_ =	strace $0x8FFFFFFF  }
0x99: {  	s20 =	sld [smem:$0x3FDB];
	_ =	sdelay $0x1  }
0x9a: {  	s5 =	simm.s32 $_scs_section_size  }
0x9b: {  	s6 =	simm.s32 $_size__tile_overlayer_lowered;
	s7 =	simm.s32 $_tile_overlayer_lowered  }
0x9c: {  	s23 =	simm.s32 $0x1BFF;
	s22 =	sshll.u32 s7, $0x1;
	s4 =	sadd.s32 s5, s20  }
0x9d: {  	s8 =	simm.s32 $0x0;
	s21 =	sshll.u32 s6, $0x1;
	s6 =	sadd.s32 s22, s4  }
0x9e: {  	[timem:s8], [sflag:s23] =	dma.local [hbm:s6], s21  }
0x9f: {  	_ =	swait.ge [sflag:s23], s21  }
0xa0: {  	s5 =	ssub.s32 $0x0, s21;
	[sflag:s23] =	ssyncset.done $0x0  }
0xa1: {  	[sflag:s23] =	ssyncadd.s32 s5;
	_ =	sdelay $0x1  }
0xa2: {  	s24 =	simm.s32 $0x1B8B  }
0xa3: {  	_ =	swait.ge [sflag:s24], $0x1  }
0xa4: {  	[sflag:s24] =	ssyncset.done $0x0  }
0xa5: {  	s25 =	simm.s32 $0x1B8E;
	[sflag:s24] =	ssyncadd.s32 $0xFFFFFFFF  }
0xa6: {  	s26 =	simm.s32 $execute0_lowered;
	[smem:$0x3FD2] =	sst s25  }
0xa7: {  	s5 =	sshll.u32 s26, $0x1;
	_ =	strace $0x80000046;
	[dreg:$0x1] =	wrdreg $0xFFFFFFFF  }
0xa8: {  	s28 =	simm.s32 $_size_execute0_lowered;
	s4 =	sadd.s32 s4, s5;
	[dreg:$0x0] =	wrdreg $0x0  }
0xa9: {  	s5 =	sshll.u32 s28, $0x1;
	[dreg:$0x2] =	wrdreg s4  }
0xaa: {  	[dreg:$0x3] =	wrdreg s5  }
0xab: {  	[dreg:$0x4] =	wrdreg $0xC0  }
0xac: {  	_ =	task [dreg:s8], $0x5FFFF  }
0xad: {  	[dreg:$0x1] =	wrdreg $0xFFFFFFFF  }
0xae: {  	[dreg:$0x0] =	wrdreg $0x60  }
0xaf: {  	[dreg:$0x2] =	wrdreg s2  }
0xb0: {  	[dreg:$0x3] =	wrdreg s19  }
0xb1: {  	[dreg:$0x4] =	wrdreg $0x9  }
0xb2: {  	_ =	task.clear_ibuf [dreg:s8], $0x5FFFF;
	_ =	strace $0x90000046  }
0xb3: {  	s29 =	simm.s32 $0x9;
	_ =	strace $0x80000048  }
0xb4: {  	_ =	swait.ge [sflag:s29], $0x1  }
0xb5: {  	[sflag:s29] =	ssyncadd.s32 $0xFFFFFFFF  }
0xb6: {  	_ =	strace $0x90000048  }
0xb7: {  	_ =	sfence  }
0xb8: {  	s30 =	sld [smem:$0x0];
	_ =	sdelay $0x2  }
0xb9: {  	s31 =	sshll.u32 s1, $0xD;
	s1 =	sshrl.u32 s1, $0x2  }
0xba: {  	s3 =	sand.u32 $0x4000, s31;
	s1 =	sadd.s32 s1, s30  }
0xbb: {  	s0 =	sor.u32 s3, s0;
	s1 =	sshll.u32 s1, $0x11  }
0xbc: {  	s0 =	sor.u32 s1, s0  }
0xbd: {  	s0 =	sadd.s32 $0x8F2B, s0  }
0xbe: {  	[sflag:s0] =	ssyncadd.remote.s32 $0x1  }
0xbf: {  	_ =	sfence.sel $0xFFFF  }
0xc0: {  	[dreg:$0x0] =	wrdreg $0xFFFFFFFF;
	(pc) =	sbr.abs _section_cstart, $3  }
0xc1: {  	[dreg:$0x1] =	wrdreg $0xFFFFFFFF  }
0xc2: {  	_ =	task.clear_ibuf [dreg:s8], $0x2FFFF;
	_ =	strace $0x9FFFFFFF  }
0xc3: {  	(tm) =	ssettm $0x7FFFFFFF  }
tec
execute0_lowered:
.L_overlay_start_1:
0x0: {  	(tag) =	ssettag $0x1  }
0x1: {  	s0 =	stileid.u32;
	s2 =	rddreg [dreg:$0x0]  }
0x2: {  	s1 =	srdreg.scid;
	s18 =	rddreg [dreg:$0x1];
	s3 =	sshll.u32 s0, $0x1  }
0x3: {  	s1 =	sand.u32 $0x1, s1;
	s17 =	sshll.u32 s0, $0x15;
	s29 =	sand.u32 $0x3, s0  }
0x4: {  	s3 =	sand.u32 $0x6, s3;
	s7 =	ssub.s32 $0x2, s1;
	s15 =	sshll.u32 s29, $0x6  }
0x5: {  	s16 =	sshll.u32 s1, $0x5;
	s8 =	sor.u32 s1, s3;
	s3 =	simm.s32 $0x0  }
0x6: {  	s11 =	sshrl.u32 s7, $0x1;
	s1 =	sshll.u32 s1, $0x14;
	s16 =	sor.u32 s16, s15  }
0x7: {  	s4 =	sshll.u32 s8, $0x4;
	s6 =	sshll.u32 s8, $0x5;
	[smem:$0x7FF] =	sst s3  }
0x8: {  	s7 =	ssub.s32 s7, s11;
	s13 =	sshll.u32 s8, $0x14;
	s14 =	sshllo.u32 s8, $0x5  }
0x9: {  	s30 =	sor.u32 $0x2, s16;
	s9 =	sand.u32 $0x50, s4;
	_ =	strace $0x80000047  }
0xa: {  	s4 =	sand.u32 $0x1800000, s17;
	s10 =	sor.u32 $0x1, s6;
	s20 =	sor.u32 $0x2, s6  }
0xb: {  	s21 =	smax.u32 s7, $0x1;
	s28 =	sshll.u32 s14, $0xF;
	s17 =	sor.u32 $0x4, s16  }
0xc: {  	s16 =	sor.u32 $0x3, s16;
	s5 =	sxor.u32 s6, s9;
	s12 =	sxor.u32 s10, s9  }
0xd: {  	[dreg:$0x4] =	wrdreg s21;
	s23 =	sor.u32 s4, s13;
	s24 =	sshrl.u32 s20, $0x1  }
0xe: {  	s9 =	sor.u32 $0x5, s9;
	s10 =	sshll.u32 s10, $0xF;
	s17 =	sshrl.u32 s17, $0x1  }
0xf: {  	s21 =	simm.s32 $0x2;
	s5 =	sshll.u32 s5, $0xF;
	s19 =	sshll.u32 s12, $0xF  }
0x10: {  	s13 =	sand.u32 $0x51, s24;
	s9 =	sxor.u32 s14, s9;
	s10 =	sor.u32 s4, s10  }
0x11: {  	s14 =	sshll.u32 s29, $0x15;
	s24 =	simm.s32 $0x0;
	s5 =	sor.u32 s4, s5  }
0x12: {  	s11 =	sor.u32 s4, s19;
	s25 =	sxor.u32 s20, s13;
	s9 =	sshll.u32 s9, $0xF  }
0x13: {  	s10 =	sshrl.u32 s10, $0x3;
	s13 =	sor.u32 s4, s28;
	s14 =	sor.u32 s14, s4  }
0x14: {  	s19 =	simm.s32 $0x1;
	s20 =	simm.s32 $0x8000;
	s5 =	sshrl.u32 s5, $0x3  }
0x15: {  	s22 =	sshrl.u32 s11, $0x3;
	s11 =	sshrl.u32 s23, $0x3;
	s9 =	sor.u32 s4, s9  }
0x16: {  	s10 =	sadd.s32 s18, s10;
	s13 =	sshrl.u32 s13, $0x3;
	s1 =	sor.u32 s1, s14  }
0x17: {  	s14 =	sshrl.u32 s30, $0x1;
	s23 =	simm.s32 $0x4;
	s5 =	sadd.s32 s2, s5  }
0x18: {  	s7 =	sadd.s32 s2, s22;
	s8 =	sadd.s32 s18, s11;
	s11 =	sshll.u32 s25, $0xF  }
0x19: {  	s26 =	sshrl.u32 s9, $0x3;
	s13 =	sadd.s32 s18, s13;
	s31 =	sor.u32 $0x18000, s1  }
0x1a: {  	s1 =	sor.u32 $0x10000, s1;
	s22 =	simm.s32 $0x3;
	[dreg:$0x3] =	wrdreg s5  }
0x1b: {  	s11 =	sor.u32 s4, s11;
	s12 =	sadd.s32 $0x1E000, s8;
	s15 =	sshrl.u32 s31, $0x3  }
0x1c: {  	s1 =	sshrl.u32 s1, $0x3;
	s11 =	sshrl.u32 s11, $0x3;
	s15 =	sadd.s32 s15, s18  }
0x1d: {  	s18 =	sadd.s32 s1, s18;
	s9 =	sadd.s32 s2, s11;
	s11 =	sadd.s32 s2, s26  }
.LBB2_1:
0x1e: {  	s0 =	rddreg [dreg:$0x3]  }
0x1f: {  	[tilespmem:s3], [sflag:$0x1] =	stream.linear.gather [hbm4b:s0+s3], $0x8000, $0x38;
	[tilespmem:$0x10000] =	vst v63  }
0x20: {  	_ =	swait.ge [sflag:s19], $0x8000  }
0x21: {  	[sflag:s19] =	ssyncset.done $0x0  }
0x22: {  	[sflag:s19] =	ssyncadd.s32 $0xFFFF8000  }
0x23: {  	[tilespmem:s20], [sflag:$0x2] =	stream.linear.gather [hbm4b:s7+s3], $0x8000, $0x38;
	[tilespmem:$0x10000] =	vst v63  }
0x24: {  	_ = 	snop  }
0x25: {  	[hbm4b:s8+s3] =	stream.linear.scatter [tilespmem:s3], [sflag:$0x3], $0x8000, $0x38;
	[tilespmem:$0x10000] =	vst v63  }
0x26: {  	_ =	swait.ge [sflag:s21], $0x8000  }
0x27: {  	[sflag:s21] =	ssyncset.done $0x0  }
0x28: {  	[sflag:s21] =	ssyncadd.s32 $0xFFFF8000  }
0x29: {  	_ =	swait.ge [sflag:s22], $0x8000  }
0x2a: {  	[sflag:s22] =	ssyncset.done $0x0  }
0x2b: {  	[sflag:s22] =	ssyncadd.s32 $0xFFFF8000  }
0x2c: {  	[tilespmem:s3], [sflag:$0x1] =	stream.linear.gather [hbm4b:s9+s3], $0x8000, $0x38;
	[tilespmem:$0x10000] =	vst v63  }
0x2d: {  	s1 =	sadd.s32 $0x0, s14  }
0x2e: {  	[hbm4b:s10+s3] =	stream.linear.scatter [tilespmem:s20], [sflag:$0x4], $0x8000, $0x38;
	[tilespmem:$0x10000] =	vst v63  }
0x2f: {  	s1 =	sand.u32 $0x55, s1;
	_ =	swait.ge [sflag:s19], $0x8000  }
0x30: {  	s1 =	sxor.u32 s16, s1;
	[sflag:s19] =	ssyncset.done $0x0  }
0x31: {  	s1 =	sshll.u32 s1, $0xF;
	[sflag:s19] =	ssyncadd.s32 $0xFFFF8000  }
0x32: {  	s1 =	sadd.s32 s4, s1;
	_ =	swait.ge [sflag:s23], $0x8000  }
0x33: {  	s1 =	sshrl.u32 s1, $0x3;
	[sflag:s23] =	ssyncset.done $0x0  }
0x34: {  	s1 =	sadd.s32 s2, s1;
	[sflag:s23] =	ssyncadd.s32 $0xFFFF8000  }
0x35: {  	[tilespmem:s20], [sflag:$0x2] =	stream.linear.gather [hbm4b:s1+s3], $0x8000, $0x38;
	[tilespmem:$0x10000] =	vst v63  }
0x36: {  	s26 =	sadd.s32 $0x0, s17  }
0x37: {  	[hbm4b:s18+s3] =	stream.linear.scatter [tilespmem:s3], [sflag:$0x3], $0x8000, $0x38;
	[tilespmem:$0x10000] =	vst v63  }
0x38: {  	s25 =	sadd.s32 $0x1, s16;
	s1 =	sand.u32 $0x55, s26;
	_ =	swait.ge [sflag:s21], $0x8000  }
0x39: {  	s1 =	sxor.u32 s25, s1;
	[sflag:s21] =	ssyncset.done $0x0  }
0x3a: {  	s30 =	sadd.s32 $0x1, s14;
	s1 =	sshll.u32 s1, $0xF;
	[sflag:s21] =	ssyncadd.s32 $0xFFFF8000  }
0x3b: {  	s28 =	sadd.s32 $0x2, s16;
	s1 =	sadd.s32 s4, s1;
	_ =	swait.ge [sflag:s22], $0x8000  }
0x3c: {  	s29 =	sadd.s32 $0x2000, s18;
	s1 =	sshrl.u32 s1, $0x3;
	[sflag:s22] =	ssyncset.done $0x0  }
0x3d: {  	s31 =	smov.u32 s15;
	s1 =	sadd.s32 s2, s1;
	[sflag:s22] =	ssyncadd.s32 $0xFFFF8000  }
0x3e: {  	[tilespmem:s3], [sflag:$0x1] =	stream.linear.gather [hbm4b:s1+s3], $0x8000, $0x38;
	[tilespmem:$0x10000] =	vst v63  }
0x3f: {  	s26 =	simm.s32 $0x1;
	s25 =	sadd.s32 $0x2000, s15;
	s1 =	simm.s32 $0x2  }
.LBB2_2:
0x40: {  	[hbm4b:s31+s3] =	stream.linear.scatter [tilespmem:s20], [sflag:$0x4], $0x8000, $0x38;
	[tilespmem:$0x10000] =	vst v63  }
0x41: {  	s0 =	smov.u32 s1;
	s31 =	smov.u32 s25  }
0x42: {  	s5 =	sand.u32 $0x55, s30;
	s30 =	sadd.s32 s1, s14;
	_ =	swait.ge [sflag:s19], $0x8000  }
0x43: {  	s6 =	sadd.s32 $0x1, s1;
	s5 =	sxor.u32 s28, s5;
	[sflag:s19] =	ssyncset.done $0x0  }
0x44: {  	p0 =	sne.s32 s1, $0xD;
	s1 =	sshll.u32 s5, $0xF;
	[sflag:s19] =	ssyncadd.s32 $0xFFFF8000  }
0x45: {  	s1 =	sadd.s32 s4, s1;
	_ =	swait.ge [sflag:s23], $0x8000  }
0x46: {  	s1 =	sshrl.u32 s1, $0x3;
	[sflag:s23] =	ssyncset.done $0x0  }
0x47: {  	s1 =	sadd.s32 s2, s1;
	[sflag:s23] =	ssyncadd.s32 $0xFFFF8000  }
0x48: {  	[tilespmem:s20], [sflag:$0x2] =	stream.linear.gather [hbm4b:s1+s3], $0x8000, $0x38;
	[tilespmem:$0x10000] =	vst v63  }
0x49: {  	s1 =	sadd.s32 s26, s17;
	s26 =	smov.u32 s0  }
0x4a: {  	[hbm4b:s29+s3] =	stream.linear.scatter [tilespmem:s3], [sflag:$0x3], $0x8000, $0x38;
	[tilespmem:$0x10000] =	vst v63  }
0x4b: {  	s0 =	sadd.s32 $0x1, s28;
	s1 =	sand.u32 $0x55, s1;
	_ =	swait.ge [sflag:s21], $0x8000  }
0x4c: {  	s0 =	sxor.u32 s0, s1;
	[sflag:s21] =	ssyncset.done $0x0  }
0x4d: {  	s0 =	sshll.u32 s0, $0xF;
	[sflag:s21] =	ssyncadd.s32 $0xFFFF8000  }
.Ltmp0:
0x4e: {  	s0 =	sadd.s32 s4, s0;
	_ =	swait.ge [sflag:s22], $0x8000;
	(pc) =	sbr.rel @p0 .LBB2_2-.Ltmp0, $4  }
0x4f: {  	s0 =	sshrl.u32 s0, $0x3;
	[sflag:s22] =	ssyncset.done $0x0  }
0x50: {  	s25 =	sadd.s32 $0x2000, s25;
	s0 =	sadd.s32 s2, s0;
	[sflag:s22] =	ssyncadd.s32 $0xFFFF8000  }
0x51: {  	[tilespmem:s3], [sflag:$0x1] =	stream.linear.gather [hbm4b:s0+s3], $0x8000, $0x38;
	[tilespmem:$0x10000] =	vst v63  }
0x52: {  	s28 =	sadd.s32 $0x2, s28;
	s29 =	sadd.s32 $0x2000, s29;
	s1 =	smov.u32 s6  }
0x53: {  	[hbm4b:s31+s3] =	stream.linear.scatter [tilespmem:s20], [sflag:$0x4], $0x8000, $0x38;
	[tilespmem:$0x10000] =	vst v63  }
0x54: {  	s0 =	sand.u32 $0x55, s30;
	_ =	swait.ge [sflag:s19], $0x8000  }
0x55: {  	s0 =	sxor.u32 s28, s0;
	[sflag:s19] =	ssyncset.done $0x0  }
0x56: {  	s0 =	sshll.u32 s0, $0xF;
	[sflag:s19] =	ssyncadd.s32 $0xFFFF8000  }
0x57: {  	s0 =	sadd.s32 s4, s0;
	_ =	swait.ge [sflag:s23], $0x8000  }
0x58: {  	s0 =	sshrl.u32 s0, $0x3;
	[sflag:s23] =	ssyncset.done $0x0  }
0x59: {  	s0 =	sadd.s32 s2, s0;
	[sflag:s23] =	ssyncadd.s32 $0xFFFF8000  }
0x5a: {  	[tilespmem:s20], [sflag:$0x2] =	stream.linear.gather [hbm4b:s0+s3], $0x8000, $0x38;
	[tilespmem:$0x10000] =	vst v63  }
0x5b: {  	s30 =	sadd.s32 s26, s17  }
0x5c: {  	[hbm4b:s29+s3] =	stream.linear.scatter [tilespmem:s3], [sflag:$0x3], $0x8000, $0x38;
	[tilespmem:$0x10000] =	vst v63  }
0x5d: {  	s1 =	sadd.s32 $0x1, s28;
	s0 =	sand.u32 $0x55, s30;
	_ =	swait.ge [sflag:s21], $0x8000  }
0x5e: {  	s0 =	sxor.u32 s1, s0;
	[sflag:s21] =	ssyncset.done $0x0  }
0x5f: {  	s0 =	sshll.u32 s0, $0xF;
	[sflag:s21] =	ssyncadd.s32 $0xFFFF8000  }
0x60: {  	s0 =	sadd.s32 s4, s0;
	_ =	swait.ge [sflag:s22], $0x8000  }
0x61: {  	s0 =	sshrl.u32 s0, $0x3;
	[sflag:s22] =	ssyncset.done $0x0  }
0x62: {  	s0 =	sadd.s32 s2, s0;
	[sflag:s22] =	ssyncadd.s32 $0xFFFF8000  }
0x63: {  	[tilespmem:s3], [sflag:$0x1] =	stream.linear.gather [hbm4b:s0+s3], $0x8000, $0x38;
	[tilespmem:$0x10000] =	vst v63  }
0x64: {  	_ = 	snop  }
0x65: {  	[hbm4b:s25+s3] =	stream.linear.scatter [tilespmem:s20], [sflag:$0x4], $0x8000, $0x38;
	[tilespmem:$0x10000] =	vst v63  }
0x66: {  	_ =	swait.ge [sflag:s19], $0x8000  }
0x67: {  	[sflag:s19] =	ssyncset.done $0x0  }
0x68: {  	[sflag:s19] =	ssyncadd.s32 $0xFFFF8000  }
0x69: {  	_ =	swait.ge [sflag:s23], $0x8000  }
0x6a: {  	[sflag:s23] =	ssyncset.done $0x0  }
0x6b: {  	[sflag:s23] =	ssyncadd.s32 $0xFFFF8000  }
0x6c: {  	[tilespmem:s20], [sflag:$0x2] =	stream.linear.gather [hbm4b:s11+s3], $0x8000, $0x38;
	[tilespmem:$0x10000] =	vst v63  }
0x6d: {  	_ = 	snop  }
0x6e: {  	[hbm4b:s12+s3] =	stream.linear.scatter [tilespmem:s3], [sflag:$0x3], $0x8000, $0x38;
	[tilespmem:$0x10000] =	vst v63  }
0x6f: {  	_ =	swait.ge [sflag:s21], $0x8000  }
0x70: {  	[sflag:s21] =	ssyncset.done $0x0  }
0x71: {  	[sflag:s21] =	ssyncadd.s32 $0xFFFF8000  }
0x72: {  	_ =	swait.ge [sflag:s22], $0x8000  }
0x73: {  	[sflag:s22] =	ssyncset.done $0x0  }
0x74: {  	[sflag:s22] =	ssyncadd.s32 $0xFFFF8000  }
0x75: {  	[hbm4b:s13+s3] =	stream.linear.scatter [tilespmem:s20], [sflag:$0x4], $0x8000, $0x38;
	[tilespmem:$0x10000] =	vst v63  }
0x76: {  	_ =	swait.ge [sflag:s23], $0x8000  }
0x77: {  	s24 =	sadd.s32 $0x1, s24;
	s31 =	rddreg [dreg:$0x4]  }
0x78: {  	p0 =	sne.s32 s24, s31  }
.Ltmp1:
0x79: {  	_ = 	snop;
	(pc) =	sbr.rel @p0 .LBB2_1-.Ltmp1, $3  }
0x7a: {  	_ =	sdelay $0x1  }
0x7b: {  	[sflag:s23] =	ssyncset.done $0x0  }
0x7c: {  	[sflag:s23] =	ssyncadd.s32 $0xFFFF8000  }
0x7d: {  	_ =	sfence.sel $0x180000  }
0x7e: {  	[bflag:$0x0] =	sbarrier.arrive $0xFFFF  }
0x7f: {  	_ =	strace $0x90000047  }
0x80: {  	s0 =	stileid.u32;
	[bflag:$0x2] =	sbarrier.arrive $0xFFFF  }
0x81: {  	p0 =	sne.s32 s0, $0x0;
	s0 =	rddreg [dreg:$0x2]  }
0x82: {  	s0 =	sadd.s32 @!p0 $0x100000, s0  }
0x83: {  	[sflag:s0] =	ssyncadd.tile.s32 @!p0 $0x1;
	_ =	shalt  }
.Lfunc_end2:
_tile_overlayer_lowered:
.L_overlay_start_2:
0x84: {  	(tag) =	ssettag $0x2  }
0x85: {  	s0 =	rddreg [dreg:$0x0];
	s2 =	stileid.u32  }
0x86: {  	s1 =	rddreg [dreg:$0x1];
	p0 =	sne.s32 s2, $0x0  }
0x87: {  	s3 =	rddreg [dreg:$0x2];
	[bflag:$0x3] =	sbarrier.arrive $0xFFFF;
	s2 =	simm.s32 @!p0 $0x1C05  }
0x88: {  	[timem:s3], [sflag:s2] =	dma.local @!p0 [hbm:s0], s1  }
0x89: {  	s0 =	simm.s32 @!p0 $0x5  }
0x8a: {  	_ =	swait.ge @!p0 [sflag:s0], s1  }
0x8b: {  	s1 =	ssub.s32 @!p0 $0x0, s1;
	[sflag:s0] =	ssyncset.done @!p0 $0x0  }
0x8c: {  	[sflag:s0] =	ssyncadd.s32 @!p0 s1  }
0x8d: {  	[bflag:$0x3] =	sbarrier.arrive $0xFFFF  }
0x8e: {  	_ =	shalt  }

</sc_bundles>
